<compile_context>
chip_gen: v7x
topology: tpu7x:2x2x1
jax: 0.10.2.dev20260603
libtpu: 0.0.44.dev20260713+nightly
codegen_flags: <defaults>
</compile_context>

<pallas_src>
import functools

import jax
import jax.numpy as jnp
from jax import lax
from jax.experimental import pallas as pl
from jax.experimental.pallas import tpu as pltpu
from jax.experimental.pallas import tpu_sc as plsc


def _sc_embedding_sum(tokens_t, embedding_table):
    seq_len, batch = tokens_t.shape
    _, dim = embedding_table.shape
    info = plsc.get_sparse_core_info()
    num_workers = info.num_cores * info.num_subcores
    b_per_w = batch // num_workers

    mesh = plsc.VectorSubcoreMesh(core_axis_name="c", subcore_axis_name="s")

    @functools.partial(
        pl.kernel,
        mesh=mesh,
        out_type=jax.ShapeDtypeStruct((batch, dim), jnp.float32),
        scratch_types=[
            pltpu.VMEM((seq_len, b_per_w), jnp.int32),
            pltpu.VMEM((b_per_w, dim), jnp.float32),
            pltpu.SemaphoreType.DMA,
        ],
        compiler_params=pltpu.CompilerParams(use_tc_tiling_on_sc=False),
    )
    def sc_kernel(tok_hbm, table_hbm, out_hbm, idx_v, acc_v, sem):
        wid = lax.axis_index("s") * info.num_cores + lax.axis_index("c")
        base = wid * b_per_w

        pltpu.sync_copy(tok_hbm.at[:, pl.ds(base, b_per_w)], idx_v)

        zeros = jnp.zeros((16,), jnp.float32)

        def zero_row(r, _):
            for k in range(dim // 16):
                acc_v[r, pl.ds(k * 16, 16)] = zeros
            return 0

        lax.fori_loop(0, b_per_w, zero_row, 0)

        def fire(t, _):
            pltpu.make_async_copy(
                table_hbm.at[idx_v.at[t]], acc_v, sem
            ).start(add=True)
            return 0

        lax.fori_loop(0, seq_len, fire, 0)

        def drain(t, _):
            pltpu.make_async_copy(
                table_hbm.at[idx_v.at[0]], acc_v, sem
            ).wait()
            return 0

        lax.fori_loop(0, seq_len, drain, 0)

        pltpu.sync_copy(acc_v, out_hbm.at[pl.ds(base, b_per_w), :])

    return sc_kernel(tokens_t, embedding_table)


def _tc_fixup(sums, tokens, embedding_table):
    batch, seq_len = tokens.shape
    _, dim = embedding_table.shape

    def tc_kernel(sum_ref, tok_ref, t0_ref, out_ref):
        mask = (tok_ref[...] > 0).astype(jnp.float32)
        cnt = jnp.sum(mask, axis=1, keepdims=True)
        n_zero = seq_len - cnt
        t0 = t0_ref[0:1, :]
        out_ref[...] = (sum_ref[...] - n_zero * t0) / jnp.maximum(cnt, 1.0)

    return pl.pallas_call(
        tc_kernel,
        out_shape=jax.ShapeDtypeStruct((batch, dim), jnp.float32),
        grid=(1,),
        in_specs=[
            pl.BlockSpec((batch, dim), lambda i: (0, 0)),
            pl.BlockSpec((batch, seq_len), lambda i: (0, 0)),
            pl.BlockSpec((8, dim), lambda i: (0, 0)),
        ],
        out_specs=pl.BlockSpec((batch, dim), lambda i: (0, 0)),
    )(sums, tokens, embedding_table)


@jax.jit
def kernel(tokens, embedding_table):
    tokens_t = tokens.T
    sums = _sc_embedding_sum(tokens_t, embedding_table)
    return _tc_fixup(sums, tokens, embedding_table)

# --- scband reference (transcript-rebuilt; emitter-appended) ---
"""Pipeline reference for scband-answer-module-38216619000316 (READ-ONLY COPY).

The authoritative reference and input builder live on the scoring server;
editing this copy changes nothing except your own understanding.
"""

import jax, jax.numpy as jnp
import numpy as np

VOCAB = 1000000
EMBED_DIM = 64
BATCH = 4096
SEQ_LEN = 50


def setup_inputs(seed: int = 0) -> dict:
    key = jax.random.key(seed)
    k1, k2 = jax.random.split(key)
    tokens = jax.random.randint(k1, (BATCH, SEQ_LEN), 0, VOCAB, dtype=jnp.int32)
    embedding_table = jax.random.normal(k2, (VOCAB, EMBED_DIM), dtype=jnp.float32) * 0.02
    return {"tokens": tokens, "embedding_table": embedding_table}


def reference(tokens, embedding_table):
    # AllenNLP util.get_text_field_mask: nonzero token ids are valid (0 = padding)
    mask = (tokens > 0).astype(jnp.float32)
    # TextFieldEmbedder -> embedding lookup (gather)
    embeddings = jnp.take(embedding_table, tokens, axis=0)  # [B, L, D]
    # embedding_dropout: identity at inference (eval mode)
    # Seq2VecEncoder: bag-of-embeddings masked mean pooling -> [B, D]
    masked = embeddings * mask[..., None]
    summed = jnp.sum(masked, axis=1)
    counts = jnp.clip(jnp.sum(mask, axis=1, keepdims=True), 1.0, None)
    encoding = summed / counts
    # encoder_dropout: identity at inference (eval mode)
    return encoding

if __name__ == "__main__":
    import jax
    _d = setup_inputs()
    print(jax.jit(kernel)(*tuple(_d.values())))

</pallas_src>

<mosaic_0001>
#map = affine_map<(d0, d1) -> (0, 0)>
module attributes {stable_mosaic.version = 14 : i64} {
  func.func @sc_kernel(%arg0: i32, %arg1: i32, %arg2: memref<50x4096xi32, #tpu.memory_space<hbm>>, %arg3: memref<1000000x64xf32, #tpu.memory_space<hbm>>, %arg4: memref<4096x64xf32, #tpu.memory_space<hbm>>, %arg5: memref<50x128xi32, #tpu.memory_space<vmem>>, %arg6: memref<128x64xf32, #tpu.memory_space<vmem>>, %arg7: memref<!tpu.dma_semaphore, #tpu.memory_space<semaphore_mem>>) attributes {dimension_semantics = [#tpu.dimension_semantics<core_parallel>, #tpu.dimension_semantics<subcore_parallel>], iteration_bounds = array<i64: 2, 16>, scalar_prefetch = 0 : i64, scratch_operands = 3 : i64, tpu.core_type = #tpu.core_type<sc_vector_subcore>, window_params = [{transform_indices = #map}, {transform_indices = #map}, {transform_indices = #map}]} {
    %mul3A = arith.constant 2 : i32
    %mul3A_0 = arith.muli %arg1, %mul3A : i32
    %add3A = arith.addi %mul3A_0, %arg0 : i32
    %mul3A_1 = arith.constant 128 : i32
    %mul3A_2 = arith.muli %add3A, %mul3A_1 : i32
    "tpu.region"() ({
      %run_scoped3A = tpu.sem_alloc : memref<!tpu.dma_semaphore, #tpu.memory_space<semaphore_mem>>
      %dma_start3A = arith.constant 0 : i32
      %dma_start3A_24 = tpu.memref_slice %arg2[%dma_start3A, %mul3A_2] : memref<50x4096xi32, #tpu.memory_space<hbm>> -> memref<50x128xi32, #tpu.memory_space<hbm>>
      %dma_start3A_25 = arith.constant 0 : i32
      %dma_start3A_26 = tpu.memref_slice %arg2[%dma_start3A_25, %mul3A_2] : memref<50x4096xi32, #tpu.memory_space<hbm>> -> memref<50x128xi32, #tpu.memory_space<hbm>>
      tpu.enqueue_dma source(%dma_start3A_26 : memref<50x128xi32, #tpu.memory_space<hbm>>) target(%arg5 : memref<50x128xi32, #tpu.memory_space<vmem>>) target_semaphore(%run_scoped3A : memref<!tpu.dma_semaphore, #tpu.memory_space<semaphore_mem>>)
      %dma_wait3A = arith.constant 0 : i32
      %dma_wait3A_27 = tpu.memref_slice %arg2[%dma_wait3A, %mul3A_2] : memref<50x4096xi32, #tpu.memory_space<hbm>> -> memref<50x128xi32, #tpu.memory_space<hbm>>
      %dma_wait3A_28 = arith.constant 0 : i32
      %dma_wait3A_29 = tpu.memref_slice %arg2[%dma_wait3A_28, %mul3A_2] : memref<50x4096xi32, #tpu.memory_space<hbm>> -> memref<50x128xi32, #tpu.memory_space<hbm>>
      tpu.wait_dma2 semaphore(%run_scoped3A : memref<!tpu.dma_semaphore, #tpu.memory_space<semaphore_mem>>) src(%dma_wait3A_29 : memref<50x128xi32, #tpu.memory_space<hbm>>) dst(%arg5 : memref<50x128xi32, #tpu.memory_space<vmem>>)
      tpu.yield
    }) : () -> ()
    %broadcast_in_dim3A = arith.constant 0.000000e+00 : f32
    %broadcast_in_dim3A_3 = vector.broadcast %broadcast_in_dim3A : f32 to vector<16xf32>
    %scan3A = arith.constant 0 : i32
    %scan3A_4 = arith.constant 0 : i32
    %scan3A_5 = arith.constant 128 : i32
    %scan3A_6 = arith.addi %scan3A_4, %scan3A_5 : i32
    %scan3A_7 = arith.constant 1 : i32
    %scan3A_8 = scf.for %scan3A_24 = %scan3A_4 to %scan3A_6 step %scan3A_7 iter_args(%scan3A_25 = %scan3A) -> (i32)  : i32 {
      %swap3A = arith.index_cast %scan3A_24 : i32 to index
      %swap3A_26 = arith.constant 0 : index
      %swap3A_27 = tpu.vector_load %arg6[%swap3A, %swap3A_26] {strides = array<i32>} : memref<128x64xf32, #tpu.memory_space<vmem>>, vector<1x16xf32>,
      %swap3A_28 = vector.shape_cast %swap3A_27 : vector<1x16xf32> to vector<16xf32>
      %swap3A_29 = vector.shape_cast %broadcast_in_dim3A_3 : vector<16xf32> to vector<1x16xf32>
      tpu.vector_store %arg6[%swap3A, %swap3A_26], %swap3A_29 {strides = array<i32>} : memref<128x64xf32, #tpu.memory_space<vmem>>, vector<1x16xf32>,
      %swap3A_30 = arith.index_cast %scan3A_24 : i32 to index
      %swap3A_31 = arith.constant 16 : index
      %swap3A_32 = tpu.vector_load %arg6[%swap3A_30, %swap3A_31] {strides = array<i32>} : memref<128x64xf32, #tpu.memory_space<vmem>>, vector<1x16xf32>,
      %swap3A_33 = vector.shape_cast %swap3A_32 : vector<1x16xf32> to vector<16xf32>
      %swap3A_34 = vector.shape_cast %broadcast_in_dim3A_3 : vector<16xf32> to vector<1x16xf32>
      tpu.vector_store %arg6[%swap3A_30, %swap3A_31], %swap3A_34 {strides = array<i32>} : memref<128x64xf32, #tpu.memory_space<vmem>>, vector<1x16xf32>,
      %swap3A_35 = arith.index_cast %scan3A_24 : i32 to index
      %swap3A_36 = arith.constant 32 : index
      %swap3A_37 = tpu.vector_load %arg6[%swap3A_35, %swap3A_36] {strides = array<i32>} : memref<128x64xf32, #tpu.memory_space<vmem>>, vector<1x16xf32>,
      %swap3A_38 = vector.shape_cast %swap3A_37 : vector<1x16xf32> to vector<16xf32>
      %swap3A_39 = vector.shape_cast %broadcast_in_dim3A_3 : vector<16xf32> to vector<1x16xf32>
      tpu.vector_store %arg6[%swap3A_35, %swap3A_36], %swap3A_39 {strides = array<i32>} : memref<128x64xf32, #tpu.memory_space<vmem>>, vector<1x16xf32>,
      %swap3A_40 = arith.index_cast %scan3A_24 : i32 to index
      %swap3A_41 = arith.constant 48 : index
      %swap3A_42 = tpu.vector_load %arg6[%swap3A_40, %swap3A_41] {strides = array<i32>} : memref<128x64xf32, #tpu.memory_space<vmem>>, vector<1x16xf32>,
      %swap3A_43 = vector.shape_cast %swap3A_42 : vector<1x16xf32> to vector<16xf32>
      %swap3A_44 = vector.shape_cast %broadcast_in_dim3A_3 : vector<16xf32> to vector<1x16xf32>
      tpu.vector_store %arg6[%swap3A_40, %swap3A_41], %swap3A_44 {strides = array<i32>} : memref<128x64xf32, #tpu.memory_space<vmem>>, vector<1x16xf32>,
      %scan3A_45 = arith.constant 0 : i32
      scf.yield %scan3A_45 : i32
    }
    %scan3A_9 = arith.constant 128 : i32
    %scan3A_10 = arith.constant 0 : i32
    %scan3A_11 = arith.constant 0 : i32
    %scan3A_12 = arith.constant 50 : i32
    %scan3A_13 = arith.addi %scan3A_11, %scan3A_12 : i32
    %scan3A_14 = arith.constant 1 : i32
    %scan3A_15 = scf.for %scan3A_24 = %scan3A_11 to %scan3A_13 step %scan3A_14 iter_args(%scan3A_25 = %scan3A_10) -> (i32)  : i32 {
      %dma_start3A = arith.constant 0 : i32
      %dma_start3A_26 = tpu.memref_slice %arg5[%scan3A_24, %dma_start3A] : memref<50x128xi32, #tpu.memory_space<vmem>> -> memref<1x128xi32, #tpu.memory_space<vmem>>
      %dma_start3A_27 = tpu.memref_squeeze %dma_start3A_26 : memref<1x128xi32, #tpu.memory_space<vmem>> -> memref<128xi32, #tpu.memory_space<vmem>>
      %dma_start3A_28 = arith.constant 0 : i32
      %dma_start3A_29 = arith.constant 0 : i32
      %dma_start3A_30 = tpu.memref_slice %arg3[%dma_start3A_28, %dma_start3A_29] : memref<1000000x64xf32, #tpu.memory_space<hbm>> -> memref<1000000x64xf32, #tpu.memory_space<hbm>>
      tpu.enqueue_indirect_dma source(%dma_start3A_30 : memref<1000000x64xf32, #tpu.memory_space<hbm>>) target(%arg6 : memref<128x64xf32, #tpu.memory_space<vmem>>) offsets(%dma_start3A_27 : memref<128xi32, #tpu.memory_space<vmem>>) semaphore(%arg7 : memref<!tpu.dma_semaphore, #tpu.memory_space<semaphore_mem>>) {add = true}
      %scan3A_31 = arith.constant 0 : i32
      scf.yield %scan3A_31 : i32
    }
    %scan3A_16 = arith.constant 50 : i32
    %scan3A_17 = arith.constant 0 : i32
    %scan3A_18 = arith.constant 0 : i32
    %scan3A_19 = arith.constant 50 : i32
    %scan3A_20 = arith.addi %scan3A_18, %scan3A_19 : i32
    %scan3A_21 = arith.constant 1 : i32
    %scan3A_22 = scf.for %scan3A_24 = %scan3A_18 to %scan3A_20 step %scan3A_21 iter_args(%scan3A_25 = %scan3A_17) -> (i32)  : i32 {
      %dma_wait3A = arith.constant 0 : i32
      %dma_wait3A_26 = arith.constant 0 : i32
      %dma_wait3A_27 = tpu.memref_slice %arg5[%dma_wait3A, %dma_wait3A_26] : memref<50x128xi32, #tpu.memory_space<vmem>> -> memref<1x128xi32, #tpu.memory_space<vmem>>
      %dma_wait3A_28 = tpu.memref_squeeze %dma_wait3A_27 : memref<1x128xi32, #tpu.memory_space<vmem>> -> memref<128xi32, #tpu.memory_space<vmem>>
      %dma_wait3A_29 = arith.constant 0 : i32
      %dma_wait3A_30 = arith.constant 0 : i32
      %dma_wait3A_31 = tpu.memref_slice %arg3[%dma_wait3A_29, %dma_wait3A_30] : memref<1000000x64xf32, #tpu.memory_space<hbm>> -> memref<1000000x64xf32, #tpu.memory_space<hbm>>
      tpu.wait_indirect_dma semaphore(%arg7 : memref<!tpu.dma_semaphore, #tpu.memory_space<semaphore_mem>>) src(%dma_wait3A_31 : memref<1000000x64xf32, #tpu.memory_space<hbm>>) dst(%arg6 : memref<128x64xf32, #tpu.memory_space<vmem>>)
      %scan3A_32 = arith.constant 0 : i32
      scf.yield %scan3A_32 : i32
    }
    %scan3A_23 = arith.constant 50 : i32
    "tpu.region"() ({
      %run_scoped3A = tpu.sem_alloc : memref<!tpu.dma_semaphore, #tpu.memory_space<semaphore_mem>>
      %dma_start3A = arith.constant 0 : i32
      %dma_start3A_24 = tpu.memref_slice %arg4[%mul3A_2, %dma_start3A] : memref<4096x64xf32, #tpu.memory_space<hbm>> -> memref<128x64xf32, #tpu.memory_space<hbm>>
      %dma_start3A_25 = arith.constant 0 : i32
      %dma_start3A_26 = tpu.memref_slice %arg4[%mul3A_2, %dma_start3A_25] : memref<4096x64xf32, #tpu.memory_space<hbm>> -> memref<128x64xf32, #tpu.memory_space<hbm>>
      tpu.enqueue_dma source(%arg6 : memref<128x64xf32, #tpu.memory_space<vmem>>) target(%dma_start3A_26 : memref<128x64xf32, #tpu.memory_space<hbm>>) target_semaphore(%run_scoped3A : memref<!tpu.dma_semaphore, #tpu.memory_space<semaphore_mem>>)
      %dma_wait3A = arith.constant 0 : i32
      %dma_wait3A_27 = tpu.memref_slice %arg4[%mul3A_2, %dma_wait3A] : memref<4096x64xf32, #tpu.memory_space<hbm>> -> memref<128x64xf32, #tpu.memory_space<hbm>>
      %dma_wait3A_28 = arith.constant 0 : i32
      %dma_wait3A_29 = tpu.memref_slice %arg4[%mul3A_2, %dma_wait3A_28] : memref<4096x64xf32, #tpu.memory_space<hbm>> -> memref<128x64xf32, #tpu.memory_space<hbm>>
      tpu.wait_dma2 semaphore(%run_scoped3A : memref<!tpu.dma_semaphore, #tpu.memory_space<semaphore_mem>>) src(%arg6 : memref<128x64xf32, #tpu.memory_space<vmem>>) dst(%dma_wait3A_29 : memref<128x64xf32, #tpu.memory_space<hbm>>)
      tpu.yield
    }) : () -> ()
    return
  }
}

module attributes {stable_mosaic.version = 14 : i64} {
  func.func @tc_kernel(%arg0: i32, %arg1: memref<4096x64xf32, #tpu.memory_space<vmem>>, %arg2: memref<4096x50xi32, #tpu.memory_space<vmem>>, %arg3: memref<8x64xf32, #tpu.memory_space<vmem>>, %arg4: memref<4096x64xf32, #tpu.memory_space<vmem>>) attributes {dimension_semantics = [#tpu.dimension_semantics<arbitrary>], iteration_bounds = array<i64: 1>, scalar_prefetch = 0 : i64, scratch_operands = 0 : i64, tpu.core_type = #tpu.core_type<tc>, window_params = [{pipeline_mode = #tpu.pipeline_mode<synchronous>, transform_indices = @transform_0, window_bounds = array<i64: 4096, 64>}, {pipeline_mode = #tpu.pipeline_mode<synchronous>, transform_indices = @transform_1, window_bounds = array<i64: 4096, 50>}, {transform_indices = @transform_2, window_bounds = array<i64: 8, 64>}, {pipeline_mode = #tpu.pipeline_mode<synchronous>, transform_indices = @transform_3, window_bounds = array<i64: 4096, 64>}]} {
    %get3A = arith.constant 0 : index
    %get3A_0 = arith.constant 0 : index
    %get3A_1 = vector.load %arg2[%get3A, %get3A_0] : memref<4096x50xi32, #tpu.memory_space<vmem>>, vector<4096x50xi32>
    %gt3A = arith.constant 0 : i32
    %gt3A_2 = vector.broadcast %gt3A : i32 to vector<4096x50xi32>
    %gt3A_3 = arith.cmpi sgt, %get3A_1, %gt3A_2 : vector<4096x50xi32>
    %convert_element_type3A = arith.extui %gt3A_3 : vector<4096x50xi1> to vector<4096x50xi32>
    %convert_element_type3A_4 = arith.sitofp %convert_element_type3A : vector<4096x50xi32> to vector<4096x50xf32>
    %reduce_sum3A = arith.constant dense<0.000000e+00> : vector<4096xf32>
    %reduce_sum3A_5 = vector.multi_reduction <add>, %convert_element_type3A_4, %reduce_sum3A [1] : vector<4096x50xf32> to vector<4096xf32>
    %broadcast_in_dim3A = vector.shape_cast %reduce_sum3A_5 : vector<4096xf32> to vector<4096x1xf32>
    %sub3A = arith.constant 5.000000e+01 : f32
    %sub3A_6 = vector.broadcast %sub3A : f32 to vector<4096x1xf32>
    %sub3A_7 = arith.subf %sub3A_6, %broadcast_in_dim3A : vector<4096x1xf32>
    %get3A_8 = arith.constant 0 : index
    %get3A_9 = arith.constant 0 : index
    %get3A_10 = vector.load %arg3[%get3A_8, %get3A_9] : memref<8x64xf32, #tpu.memory_space<vmem>>, vector<1x64xf32>
    %get3A_11 = arith.constant 0 : index
    %get3A_12 = arith.constant 0 : index
    %get3A_13 = vector.load %arg1[%get3A_11, %get3A_12] : memref<4096x64xf32, #tpu.memory_space<vmem>>, vector<4096x64xf32>
    %mul3A = vector.broadcast %sub3A_7 : vector<4096x1xf32> to vector<4096x64xf32>
    %mul3A_14 = vector.broadcast %get3A_10 : vector<1x64xf32> to vector<4096x64xf32>
    %mul3A_15 = arith.mulf %mul3A, %mul3A_14 : vector<4096x64xf32>
    %sub3A_16 = arith.subf %get3A_13, %mul3A_15 : vector<4096x64xf32>
    %max3A = arith.constant 1.000000e+00 : f32
    %max3A_17 = vector.broadcast %max3A : f32 to vector<4096x1xf32>
    %max3A_18 = arith.maximumf %broadcast_in_dim3A, %max3A_17 : vector<4096x1xf32>
    %div3A = vector.broadcast %max3A_18 : vector<4096x1xf32> to vector<4096x64xf32>
    %div3A_19 = arith.divf %sub3A_16, %div3A : vector<4096x64xf32>
    %swap3A = arith.constant 0 : index
    %swap3A_20 = arith.constant 0 : index
    %swap3A_21 = vector.load %arg4[%swap3A, %swap3A_20] : memref<4096x64xf32, #tpu.memory_space<vmem>>, vector<4096x64xf32>
    tpu.vector_store %arg4[%swap3A, %swap3A_20], %div3A_19 {strides = array<i32>} : memref<4096x64xf32, #tpu.memory_space<vmem>>, vector<4096x64xf32>,
    return
  }
  func.func @transform_0(%arg0: i32) -> (i32, i32) {
    %c0_i32 = arith.constant 0 : i32
    %c0_i32_0 = arith.constant 0 : i32
    %c0_i32_1 = arith.constant 0 : i32
    return %c0_i32, %c0_i32_0 : i32, i32
  }
  func.func @transform_1(%arg0: i32) -> (i32, i32) {
    %c0_i32 = arith.constant 0 : i32
    %c0_i32_0 = arith.constant 0 : i32
    %c0_i32_1 = arith.constant 0 : i32
    return %c0_i32, %c0_i32_0 : i32, i32
  }
  func.func @transform_2(%arg0: i32) -> (i32, i32) {
    %c0_i32 = arith.constant 0 : i32
    %c0_i32_0 = arith.constant 0 : i32
    %c0_i32_1 = arith.constant 0 : i32
    return %c0_i32, %c0_i32_0 : i32, i32
  }
  func.func @transform_3(%arg0: i32) -> (i32, i32) {
    %c0_i32 = arith.constant 0 : i32
    %c0_i32_0 = arith.constant 0 : i32
    %c0_i32_1 = arith.constant 0 : i32
    return %c0_i32, %c0_i32_0 : i32, i32
  }
}

</mosaic_0001>

<sc_bundles>
// kernel: kernel.4.cloned.1.call-start
scs
__scs_entry_jumppad:
0x0: {  	(pc) =	sbr.rel $0x88, $3  }
0x1: {  	(tag) =	ssettag $0x0;
	lr =	simm.s32 $0x1  }
0x2: {  	[smem:$0x3F9F] =	sst lr;
	_ =	strace $0xD0000000  }
0x3: {  	_ = 	snop  }
0x4: {  	_ = 	snop  }
0x5: {  	_ = 	snop  }
0x6: {  	_ = 	snop  }
0x7: {  	_ = 	snop  }
__scs_overlays_trampoline_lowered:
0x8: {  	[smem:$0x3FAE] =	sst s0  }
0x9: {  	[smem:$0x3FAF] =	sst s1  }
0xa: {  	[smem:$0x3FB0] =	sst s2  }
0xb: {  	[smem:$0x3FB1] =	sst s3  }
0xc: {  	[smem:$0x3FB2] =	sst s4  }
0xd: {  	[smem:$0x3FB3] =	sst s5  }
0xe: {  	[smem:$0x3FB4] =	sst s6  }
0xf: {  	[smem:$0x3FB5] =	sst s7  }
0x10: {  	[smem:$0x3FB6] =	sst s8  }
0x11: {  	[smem:$0x3FB7] =	sst s9;
	s0 =	simm.s32 @!p0 $0x0  }
0x12: {  	s1 =	sld [smem:$0x3F9D];
	s0 =	simm.s32 @p0 $0x1  }
0x13: {  	[smem:$0x3FB8] =	sst s0;
	s0 =	simm.s32 @!p1 $0x0  }
0x14: {  	s2 =	sld [smem:$0x3F9C];
	s0 =	simm.s32 @p1 $0x1  }
0x15: {  	[smem:$0x3FB9] =	sst s0;
	s0 =	simm.s32 @!p2 $0x0  }
0x16: {  	s3 =	sld [smem:$0x3FDB];
	s0 =	simm.s32 @p2 $0x1  }
0x17: {  	s4 =	simm.s32 $0x1BF5;
	[smem:$0x3FBB] =	sst s0  }
0x18: {  	s0 =	sld [smem:$0x3F9E];
	_ =	swait.ge [sflag:s4], $0x0  }
0x19: {  	s7 =	sld [smem:$0x3F9F]  }
0x1a: {  	s8 =	sadd.s32 $0xFFFFE003, lr  }
0x1b: {  	s9 =	sadd.s32 $0xFFFFFEF7, lr;
	s5 =	simm.s32 $0xFFFFFFFF;
	p2 =	slt.u32 s8, $0xFFFFF086  }
0x1c: {  	p1 =	slt.u32 s9, $0xF7A;
	s5 =	simm.s32 @!p2 $0x0  }
0x1d: {  	s5 =	simm.s32 @p1 $0x1;
	p0 =	seq.s32 s7, s2  }
0x1e: {  	s7 =	smul.u32 @!p0 $0xF7A, s2;
	p2 =	seq.s32 @!p0 s5, $0x0  }
0x1f: {  	s9 =	smul.u32 $0xF7A, s1;
	s8 =	simm.s32 @!p0 $0x1BF5;
	p2 =	por !p2, p0  }
0x20: {  	[sflag:s8] =	ssyncset.s32 @!p0 $0xFFFFF086;
	s6 =	sadd.s32 @!p0 s3, s7;
	s7 =	simm.s32 @!p0 $0x108  }
0x21: {  	s3 =	sadd.s32 s3, s9;
	s6 =	sadd.s32 @!p0 $0x88, s6;
	s7 =	simm.s32 @p2 $0x1082  }
0x22: {  	[simem:s7], [sflag:s8] =	dma.local @!p0 [hbm:s6], $0xF7A  }
0x23: {  	s9 =	sor.u32 $0xD0000000, s2;
	s6 =	simm.s32 $0x108;
	_ =	swait.ge @!p0 [sflag:s8], $0x0  }
0x24: {  	s3 =	sadd.s32 $0x88, s3;
	s6 =	simm.s32 @!p1 $0x1082;
	[sflag:s4] =	ssyncset.s32 $0xFFFFF086  }
0x25: {  	[simem:s6], [sflag:s4] =	dma.local [hbm:s3], $0xF7A  }
0x26: {  	[smem:$0x3F9F] =	sst s1;
	(tag) =	ssettag s2;
	_ =	strace s9  }
0x27: {  	s1 =	sld [smem:$0x3FAF]  }
0x28: {  	s2 =	sld [smem:$0x3FB0]  }
0x29: {  	s4 =	sld [smem:$0x3FB2]  }
0x2a: {  	p0 =	seq.s32 s5, $0x0;
	s5 =	sld [smem:$0x3FB3]  }
0x2b: {  	s6 =	sld [smem:$0x3FB4]  }
0x2c: {  	s7 =	sld [smem:$0x3FB5]  }
0x2d: {  	s3 =	simm.s32 $0x108;
	s8 =	sld [smem:$0x3FB6]  }
0x2e: {  	s3 =	simm.s32 @!p0 $0x1082;
	s9 =	sld [smem:$0x3FB7]  }
0x2f: {  	lr =	sadd.s32 s0, s3;
	s0 =	sld [smem:$0x3FAE]  }
0x30: {  	s3 =	sld [smem:$0x3FB1]  }
0x31: {  	[smem:$0x3FBA] =	sst s10  }
0x32: {  	s10 =	sld [smem:$0x3FB8];
	_ =	sdelay $0x3  }
0x33: {  	p0 =	seq.s32 s10, $0x1;
	s10 =	sld [smem:$0x3FBA];
	_ =	sdelay $0x3  }
0x34: {  	[smem:$0x3FBA] =	sst s10  }
0x35: {  	s10 =	sld [smem:$0x3FB9];
	_ =	sdelay $0x3  }
0x36: {  	p1 =	seq.s32 s10, $0x1;
	s10 =	sld [smem:$0x3FBA];
	_ =	sdelay $0x3  }
0x37: {  	[smem:$0x3FBA] =	sst s10  }
0x38: {  	s10 =	sld [smem:$0x3FBB]  }
0x39: {  	_ = 	snop;
	(pc) =	sbr.ind lr, $3  }
0x3a: {  	_ = 	snop  }
0x3b: {  	_ = 	snop  }
0x3c: {  	p2 =	seq.s32 s10, $0x1;
	s10 =	sld [smem:$0x3FBA]  }
0x3d: {  	_ =	shalt  }
0x3e: {  	_ =	shalt  }
0x3f: {  	_ =	shalt  }
0x40: {  	_ =	shalt  }
0x41: {  	_ =	shalt  }
0x42: {  	_ =	shalt  }
0x43: {  	_ =	shalt  }
0x44: {  	_ =	shalt  }
0x45: {  	_ =	shalt  }
0x46: {  	_ =	shalt  }
0x47: {  	_ =	shalt  }
0x48: {  	_ =	shalt  }
0x49: {  	_ =	shalt  }
0x4a: {  	_ =	shalt  }
0x4b: {  	_ =	shalt  }
0x4c: {  	_ =	shalt  }
0x4d: {  	_ =	shalt  }
0x4e: {  	_ =	shalt  }
0x4f: {  	_ =	shalt  }
0x50: {  	_ =	shalt  }
0x51: {  	_ =	shalt  }
0x52: {  	_ =	shalt  }
0x53: {  	_ =	shalt  }
0x54: {  	_ =	shalt  }
0x55: {  	_ =	shalt  }
0x56: {  	_ =	shalt  }
0x57: {  	_ =	shalt  }
0x58: {  	_ =	shalt  }
0x59: {  	_ =	shalt  }
0x5a: {  	_ =	shalt  }
0x5b: {  	_ =	shalt  }
0x5c: {  	_ =	shalt  }
0x5d: {  	_ =	shalt  }
0x5e: {  	_ =	shalt  }
0x5f: {  	_ =	shalt  }
0x60: {  	_ =	shalt  }
0x61: {  	_ =	shalt  }
0x62: {  	_ =	shalt  }
0x63: {  	_ =	shalt  }
0x64: {  	_ =	shalt  }
0x65: {  	_ =	shalt  }
0x66: {  	_ =	shalt  }
0x67: {  	_ =	shalt  }
0x68: {  	_ =	shalt  }
0x69: {  	_ =	shalt  }
0x6a: {  	_ =	shalt  }
0x6b: {  	_ =	shalt  }
0x6c: {  	_ =	shalt  }
0x6d: {  	_ =	shalt  }
0x6e: {  	_ =	shalt  }
0x6f: {  	_ =	shalt  }
0x70: {  	_ =	shalt  }
0x71: {  	_ =	shalt  }
0x72: {  	_ =	shalt  }
0x73: {  	_ =	shalt  }
0x74: {  	_ =	shalt  }
0x75: {  	_ =	shalt  }
0x76: {  	_ =	shalt  }
0x77: {  	_ =	shalt  }
0x78: {  	_ =	shalt  }
0x79: {  	_ =	shalt  }
0x7a: {  	_ =	shalt  }
0x7b: {  	_ =	shalt  }
0x7c: {  	_ =	shalt  }
0x7d: {  	_ =	shalt  }
0x7e: {  	_ =	shalt  }
0x7f: {  	_ =	shalt  }
0x80: {  	_ =	shalt  }
0x81: {  	_ =	shalt  }
0x82: {  	_ =	shalt  }
0x83: {  	_ =	shalt  }
0x84: {  	_ =	shalt  }
0x85: {  	_ =	shalt  }
0x86: {  	_ =	shalt  }
0x87: {  	_ =	shalt  }
.Lfunc_end0:
.L_simem_size_0:
called_computation_lowered:
.L_overlay_start_0:
0x88: {  	s2 =	sld [smem:$0x3FD9]  }
0x89: {  	s3 =	sld [smem:$0x3FFE];
	_ =	sdelay $0x1  }
0x8a: {  	s1 =	srdreg.scid  }
0x8b: {  	s0 =	sand.u32 $0x1, s1  }
0x8c: {  	s17 =	sshll.u32 s0, $0xA;
	s2 =	sadd.s32 s3, s2  }
0x8d: {  	s2 =	sadd.s32 s2, s17  }
0x8e: {  	[smem:$0x3FC6] =	sst s2  }
0x8f: {  	_ = 	snop  }
0x90: {  	s2 =	sld [smem:$0x3FD0];
	(tm) =	ssettm $0x1  }
0x91: {  	s18 =	sld [smem:$0x3FFB];
	_ =	sdelay $0x3  }
0x92: {  	_ =	strace s18  }
0x93: {  	s3 =	sld [smem:$0x3FFC];
	_ =	sdelay $0x3  }
0x94: {  	_ =	strace s3  }
0x95: {  	s3 =	sld [smem:$0x3FFD];
	_ =	sdelay $0x3  }
0x96: {  	_ =	strace s3  }
0x97: {  	_ =	strace $0x8FFFFFFF  }
0x98: {  	s19 =	sld [smem:$0x3FDB];
	_ =	sdelay $0x1  }
0x99: {  	s4 =	simm.s32 $_scs_section_size  }
0x9a: {  	s5 =	simm.s32 $_size__tile_overlayer_lowered;
	s6 =	simm.s32 $_tile_overlayer_lowered  }
0x9b: {  	s22 =	simm.s32 $0x1BFF;
	s21 =	sshll.u32 s6, $0x1;
	s3 =	sadd.s32 s4, s19  }
0x9c: {  	s7 =	simm.s32 $0x0;
	s20 =	sshll.u32 s5, $0x1;
	s5 =	sadd.s32 s21, s3  }
0x9d: {  	[timem:s7], [sflag:s22] =	dma.local [hbm:s5], s20  }
0x9e: {  	_ =	swait.ge [sflag:s22], s20  }
0x9f: {  	s4 =	ssub.s32 $0x0, s20;
	[sflag:s22] =	ssyncset.done $0x0  }
0xa0: {  	[sflag:s22] =	ssyncadd.s32 s4;
	_ =	sdelay $0x1  }
0xa1: {  	s23 =	simm.s32 $0x1B8B  }
0xa2: {  	_ =	swait.ge [sflag:s23], $0x1  }
0xa3: {  	[sflag:s23] =	ssyncset.done $0x0  }
0xa4: {  	s25 =	simm.s32 $0x1B8E;
	s24 =	sld [smem:$0x3FFE];
	[sflag:s23] =	ssyncadd.s32 $0xFFFFFFFF  }
0xa5: {  	s26 =	simm.s32 $execute0_lowered;
	[smem:$0x3FD2] =	sst s25  }
0xa6: {  	s5 =	sshll.u32 s26, $0x1;
	_ =	strace $0x80000046;
	[dreg:$0x1] =	wrdreg $0xFFFFFFFF  }
0xa7: {  	s28 =	simm.s32 $_size_execute0_lowered;
	s3 =	sadd.s32 s3, s5;
	[dreg:$0x0] =	wrdreg $0x0  }
0xa8: {  	s5 =	sshll.u32 s28, $0x1;
	[dreg:$0x2] =	wrdreg s3  }
0xa9: {  	[dreg:$0x3] =	wrdreg s5  }
0xaa: {  	[dreg:$0x4] =	wrdreg $0xC0  }
0xab: {  	_ =	task [dreg:s7], $0x5FFFF  }
0xac: {  	[dreg:$0x1] =	wrdreg $0xFFFFFFFF  }
0xad: {  	[dreg:$0x0] =	wrdreg $0x60  }
0xae: {  	[dreg:$0x2] =	wrdreg s24  }
0xaf: {  	[dreg:$0x3] =	wrdreg s2  }
0xb0: {  	[dreg:$0x4] =	wrdreg $0x9  }
0xb1: {  	_ =	task.clear_ibuf [dreg:s7], $0x5FFFF;
	_ =	strace $0x90000046  }
0xb2: {  	s29 =	simm.s32 $0x9;
	_ =	strace $0x80000048  }
0xb3: {  	_ =	swait.ge [sflag:s29], $0x1  }
0xb4: {  	[sflag:s29] =	ssyncadd.s32 $0xFFFFFFFF  }
0xb5: {  	_ =	strace $0x90000048  }
0xb6: {  	_ =	sfence  }
0xb7: {  	s30 =	sld [smem:$0x0];
	_ =	sdelay $0x2  }
0xb8: {  	s31 =	sshll.u32 s1, $0xD;
	s1 =	sshrl.u32 s1, $0x2  }
0xb9: {  	s3 =	sand.u32 $0x4000, s31;
	s1 =	sadd.s32 s1, s30  }
0xba: {  	s0 =	sor.u32 s3, s0;
	s1 =	sshll.u32 s1, $0x11  }
0xbb: {  	s0 =	sor.u32 s1, s0  }
0xbc: {  	s0 =	sadd.s32 $0x8F2B, s0  }
0xbd: {  	[sflag:s0] =	ssyncadd.remote.s32 $0x1  }
0xbe: {  	_ =	sfence.sel $0xFFFF  }
0xbf: {  	[dreg:$0x0] =	wrdreg $0xFFFFFFFF;
	(pc) =	sbr.abs _section_cstart, $3  }
0xc0: {  	[dreg:$0x1] =	wrdreg $0xFFFFFFFF  }
0xc1: {  	_ =	task.clear_ibuf [dreg:s7], $0x2FFFF;
	_ =	strace $0x9FFFFFFF  }
0xc2: {  	(tm) =	ssettm $0x7FFFFFFF  }
0xc3: {  	_ =	shalt  }
tec
execute0_lowered:
.L_overlay_start_1:
0x0: {  	(tag) =	ssettag $0x1  }
0x1: {  	s1 =	srdreg.scid;
	s3 =	rddreg [dreg:$0x0]  }
0x2: {  	s0 =	stileid.u32;
	s5 =	rddreg [dreg:$0x1]  }
0x3: {  	s2 =	simm.s32 $0x0;
	s9 =	simm.s32 $0x2;
	s10 =	simm.s32 $0x1900  }
0x4: {  	s11 =	simm.s32 $0x1;
	s12 =	simm.s32 $0x0;
	s4 =	sand.u32 $0x1, s1  }
0x5: {  	s6 =	sshll.u32 s0, $0x8;
	s1 =	rddreg [dreg:$0x2];
	s7 =	sshll.u32 s4, $0x7  }
0x6: {  	[smem:$0x7FF] =	sst s2;
	s4 =	ssub.s32 $0x2, s4;
	s6 =	sor.u32 s7, s6  }
0x7: {  	_ =	strace $0x80000047;
	s8 =	sshrl.u32 s4, $0x1;
	s7 =	sshrl.u32 s6, $0x3  }
0x8: {  	s8 =	ssub.s32 s4, s8;
	s6 =	sshll.u32 s6, $0x3;
	s7 =	sadd.s32 s7, s3  }
0x9: {  	s3 =	sadd.s32 $0xF42C00, s3;
	s5 =	sadd.s32 s5, s6;
	s6 =	smax.u32 s8, $0x1  }
0xa: {  	v0 =	vimm.f32 $0.0e+00;
	s8 =	simm.s32 $0x1000;
	s4 =	sadd.s32 $0x16E3E00, s7;
	s7 =	simm.s32 $0x80  }
.LBB2_1:
0xb: {  	[tilespmem:s2], [sflag:$0x2] =	stream.strided.gather [hbm4b:s4+s7], $0x1900, s8, s7, $0x38;
	[tilespmem:$0x3900] =	vst v63  }
0xc: {  	_ =	swait.ge [sflag:s9], $0x1900  }
0xd: {  	[sflag:s9] =	ssyncset.done $0x0  }
0xe: {  	s13 =	simm.s32 $0x0;
	[sflag:s9] =	ssyncadd.s32 $0xFFFFE700  }
.LBB2_2:
0xf: {  	p0 =	sne.s32 s13, $0x7F00  }
.Ltmp0:
0x10: {  	s14 =	sshra.s32 s13, $0x2;
	(pc) =	sbr.rel @p0 .LBB2_2-.Ltmp0, $4  }
0x11: {  	[tilespmem:s14+$0x1900] =	vst v0  }
0x12: {  	[tilespmem:s14+$0x1910] =	vst v0  }
0x13: {  	[tilespmem:s14+$0x1920] =	vst v0  }
0x14: {  	s13 =	sadd.s32 $0x100, s13;
	[tilespmem:s14+$0x1930] =	vst v0  }
0x15: {  	s13 =	simm.s32 $0x0  }
.LBB2_4:
0x16: {  	p0 =	sne.s32 s13, $0x6200  }
.Ltmp1:
0x17: {  	_ = 	snop;
	(pc) =	sbr.rel @p0 .LBB2_4-.Ltmp1, $3  }
0x18: {  	_ =	sdelay $0x1  }
0x19: {  	s14 =	sshra.s32 s13, $0x2;
	s13 =	sadd.s32 $0x200, s13  }
0x1a: {  	[tilespmem:s10], [sflag:$0x1] =	stream.indirect.gather.add.f32 [hbm:s3], $0x40, s14, s7, $0xb8;
	[tilespmem:$0x3900] =	vst v63  }
0x1b: {  	_ =	swait.ge [sflag:s11], $0x2000  }
0x1c: {  	s13 =	simm.s32 $0x31;
	[sflag:s11] =	ssyncset.done $0x0  }
.LBB2_6:
0x1d: {  	p0 =	sne.s32 s13, $0x1;
	s13 =	sadd.s32 $0xFFFFFFFF, s13;
	[sflag:s11] =	ssyncadd.s32 $0xFFFFE000  }
.Ltmp2:
0x1e: {  	(pc) =	sbr.rel @p0 .LBB2_6-.Ltmp2, $3  }
0x1f: {  	_ =	sdelay $0x1  }
0x20: {  	_ =	swait.ge [sflag:s11], $0x2000  }
0x21: {  	[sflag:s11] =	ssyncset.done $0x0  }
0x22: {  	s12 =	sadd.s32 $0x1, s12  }
0x23: {  	p0 =	sne.s32 s12, s6  }
.Ltmp3:
0x24: {  	[sflag:s11] =	ssyncadd.s32 $0xFFFFE000;
	(pc) =	sbr.rel @p0 .LBB2_1-.Ltmp3, $4  }
0x25: {  	[hbm4b:s5+s2] =	stream.linear.scatter [tilespmem:s10], [sflag:$0x2], $0x2000, $0x38;
	[tilespmem:$0x3900] =	vst v63  }
0x26: {  	_ =	swait.ge [sflag:s9], $0x2000  }
0x27: {  	[sflag:s9] =	ssyncset.done $0x0  }
0x28: {  	[sflag:s9] =	ssyncadd.s32 $0xFFFFE000  }
0x29: {  	_ =	sfence.sel $0x180000  }
0x2a: {  	[bflag:$0x0] =	sbarrier.arrive $0xFFFF  }
0x2b: {  	p0 =	sne.s32 s0, $0x0;
	_ =	strace $0x90000047  }
0x2c: {  	s0 =	sadd.s32 @!p0 $0x100000, s1;
	[bflag:$0x2] =	sbarrier.arrive $0xFFFF  }
0x2d: {  	[sflag:s0] =	ssyncadd.tile.s32 @!p0 $0x1;
	_ =	shalt  }
.Lfunc_end2:
_tile_overlayer_lowered:
.L_overlay_start_2:
0x2e: {  	(tag) =	ssettag $0x2  }
0x2f: {  	s0 =	rddreg [dreg:$0x0];
	s2 =	stileid.u32  }
0x30: {  	s1 =	rddreg [dreg:$0x1];
	p0 =	sne.s32 s2, $0x0  }
0x31: {  	s3 =	rddreg [dreg:$0x2];
	[bflag:$0x3] =	sbarrier.arrive $0xFFFF;
	s2 =	simm.s32 @!p0 $0x1C02  }
0x32: {  	[timem:s3], [sflag:s2] =	dma.local @!p0 [hbm:s0], s1  }
0x33: {  	s0 =	simm.s32 @!p0 $0x2  }
0x34: {  	_ =	swait.ge @!p0 [sflag:s0], s1  }
0x35: {  	s1 =	ssub.s32 @!p0 $0x0, s1;
	[sflag:s0] =	ssyncset.done @!p0 $0x0  }
0x36: {  	[sflag:s0] =	ssyncadd.s32 @!p0 s1  }
0x37: {  	[bflag:$0x3] =	sbarrier.arrive $0xFFFF  }
0x38: {  	_ =	shalt  }

</sc_bundles>
